<compile_context>
chip_gen: v7x
topology: tpu7x:2x2x1
jax: 0.10.2.dev20260603
libtpu: 0.0.44.dev20260713+nightly
codegen_flags: <defaults>
</compile_context>

<pallas_src>
import functools

import jax
import jax.numpy as jnp
from jax import lax
from jax.experimental import pallas as pl
from jax.experimental.pallas import tpu as pltpu
from jax.experimental.pallas import tpu_sc as plsc

N_VOCAB = 1000
HIDDEN = 128
BATCH = 1024
SEQ = 50
TOK = BATCH * SEQ

NC = 2
NS = 16
NW = NC * NS
B_PER_W = TOK // NW
CHUNK = 400
NCHUNK = B_PER_W // CHUNK


def _sc_gather(table, idx):
    mesh = plsc.VectorSubcoreMesh(core_axis_name="c", subcore_axis_name="s")

    @functools.partial(
        pl.kernel,
        out_type=jax.ShapeDtypeStruct((TOK, HIDDEN), jnp.float32),
        mesh=mesh,
        scratch_types=[
            pltpu.VMEM((CHUNK,), jnp.int32),
            pltpu.VMEM((CHUNK,), jnp.int32),
            pltpu.VMEM((CHUNK, HIDDEN), jnp.float32),
            pltpu.VMEM((CHUNK, HIDDEN), jnp.float32),
            pltpu.SemaphoreType.DMA,
            pltpu.SemaphoreType.DMA,
            pltpu.SemaphoreType.DMA,
            pltpu.SemaphoreType.DMA,
        ],
    )
    def k(table_hbm, idx_hbm, out_hbm,
          idx0, idx1, rows0, rows1, g0, g1, w0, w1):
        wid = lax.axis_index("s") * NC + lax.axis_index("c")
        base = wid * B_PER_W
        idx_v = [idx0, idx1]
        rows_v = [rows0, rows1]
        gsem = [g0, g1]
        wsem = [w0, w1]
        pltpu.sync_copy(idx_hbm.at[pl.ds(base, CHUNK)], idx0)
        gathers = [pltpu.async_copy(table_hbm.at[idx0], rows0, g0), None]
        writes = [None, None]
        for c in range(NCHUNK):
            cur, nxt = c % 2, (c + 1) % 2
            if c + 1 < NCHUNK:
                if writes[nxt] is not None:
                    writes[nxt].wait()
                pltpu.sync_copy(
                    idx_hbm.at[pl.ds(base + (c + 1) * CHUNK, CHUNK)],
                    idx_v[nxt],
                )
                gathers[nxt] = pltpu.async_copy(
                    table_hbm.at[idx_v[nxt]], rows_v[nxt], gsem[nxt]
                )
            gathers[cur].wait()
            writes[cur] = pltpu.async_copy(
                rows_v[cur], out_hbm.at[pl.ds(base + c * CHUNK, CHUNK)],
                wsem[cur],
            )
        writes[0].wait()
        writes[1].wait()

    return k(table, idx)


NB = 256
NCH = BATCH // NB
SB = 2


def _tc_mlp(e3, W1, b1, W2, b2r):

    def body(e_ref, w1_ref, b1_ref, w2_ref, b2_ref, out_ref, w2t_ref, b2c_ref):
        @pl.when(pl.program_id(0) == 0)
        def _():
            w2t_ref[...] = jnp.transpose(w2_ref[...]).astype(jnp.bfloat16)
            b2c_ref[...] = jnp.transpose(b2_ref[...])

        w1 = w1_ref[...].astype(jnp.bfloat16)
        b1v = b1_ref[...]
        w2t = w2t_ref[...]
        b2v = b2c_ref[...]
        for s in range(SB):
            for c in range(NCH):
                es = e_ref[s, pl.ds(c * NB, NB), :].astype(jnp.bfloat16)
                h = jnp.dot(es, w1, preferred_element_type=jnp.float32)
                h = jnp.maximum(h + b1v, 0.0).astype(jnp.bfloat16)
                out_ref[s, :, pl.ds(c * NB, NB)] = (
                    lax.dot_general(
                        w2t, h, (((1,), (1,)), ((), ())),
                        preferred_element_type=jnp.float32,
                    )
                    + b2v
                )

    return pl.pallas_call(
        body,
        grid=(SEQ // SB,),
        in_specs=[
            pl.BlockSpec((SB, BATCH, HIDDEN), lambda s: (s, 0, 0)),
            pl.BlockSpec((HIDDEN, HIDDEN), lambda s: (0, 0)),
            pl.BlockSpec((1, HIDDEN), lambda s: (0, 0)),
            pl.BlockSpec((HIDDEN, N_VOCAB), lambda s: (0, 0)),
            pl.BlockSpec((1, N_VOCAB), lambda s: (0, 0)),
        ],
        out_specs=pl.BlockSpec((SB, N_VOCAB, BATCH), lambda s: (s, 0, 0)),
        out_shape=jax.ShapeDtypeStruct((SEQ, N_VOCAB, BATCH), jnp.float32),
        scratch_shapes=[
            pltpu.VMEM((N_VOCAB, HIDDEN), jnp.bfloat16),
            pltpu.VMEM((N_VOCAB, 1), jnp.float32),
        ],
        compiler_params=pltpu.CompilerParams(
            dimension_semantics=("arbitrary",),
        ),
    )(e3, W1, b1, W2, b2r)


def kernel(x, embed, W1, b1, W2, b2):
    idx = x.T.reshape(TOK).astype(jnp.int32)
    e = _sc_gather(embed, idx)
    e3 = e.reshape(SEQ, BATCH, HIDDEN)
    out = _tc_mlp(
        e3,
        W1,
        b1.reshape(1, HIDDEN),
        W2,
        b2.reshape(1, N_VOCAB),
    )
    return jnp.transpose(out, (2, 0, 1))

# --- scband reference (transcript-rebuilt; emitter-appended) ---
"""Pipeline reference for scband-toy-llm-24850680775286 (READ-ONLY COPY).

The authoritative reference and input builder live on the scoring server;
editing this copy changes nothing except your own understanding.
"""

import jax, jax.numpy as jnp
import numpy as np

N_VOCAB = 1000
HIDDEN = 128
BATCH = 1024
SEQ = 50

def setup_inputs(seed: int = 0) -> dict:
    key = jax.random.key(seed)
    k_x, k_emb, k_w1, k_b1, k_w2, k_b2 = jax.random.split(key, 6)
    x = jax.random.randint(k_x, (BATCH, SEQ), 0, N_VOCAB, dtype=jnp.int64 if jax.config.jax_enable_x64 else jnp.int32)
    # flax nn.Embed with uniform() init: uniform in [0, 0.01)
    embed = jax.random.uniform(k_emb, (N_VOCAB, HIDDEN), dtype=jnp.float32) * 0.01
    # flax Dense default: lecun_normal kernel, zeros bias
    W1 = jax.random.normal(k_w1, (HIDDEN, HIDDEN), dtype=jnp.float32) / jnp.sqrt(HIDDEN)
    b1 = jnp.zeros((HIDDEN,), dtype=jnp.float32)
    W2 = jax.random.normal(k_w2, (HIDDEN, N_VOCAB), dtype=jnp.float32) / jnp.sqrt(HIDDEN)
    b2 = jnp.zeros((N_VOCAB,), dtype=jnp.float32)
    return {"x": x, "embed": embed, "W1": W1, "b1": b1, "W2": W2, "b2": b2}

def reference(x, embed, W1, b1, W2, b2):
    h = jnp.take(embed, x, axis=0)          # [B, S, H] embedding lookup
    h = jnp.dot(h, W1) + b1                 # Dense(hidden)
    h = jax.nn.relu(h)
    logits = jnp.dot(h, W2) + b2            # Dense(n_vocab)
    return logits

if __name__ == "__main__":
    import jax
    _d = setup_inputs()
    print(jax.jit(kernel)(*tuple(_d.values())))

</pallas_src>

<mosaic_0001>
#map = affine_map<(d0, d1) -> (0, 0)>
#map1 = affine_map<(d0, d1) -> (0)>
module attributes {stable_mosaic.version = 14 : i64} {
  func.func @k(%arg0: i32, %arg1: i32, %arg2: memref<1000x128xf32, #tpu.memory_space<hbm>>, %arg3: memref<51200xi32, #tpu.memory_space<hbm>>, %arg4: memref<51200x128xf32, #tpu.memory_space<hbm>>, %arg5: memref<400xi32, #tpu.memory_space<vmem>>, %arg6: memref<400xi32, #tpu.memory_space<vmem>>, %arg7: memref<400x128xf32, #tpu.memory_space<vmem>>, %arg8: memref<400x128xf32, #tpu.memory_space<vmem>>, %arg9: memref<!tpu.dma_semaphore, #tpu.memory_space<semaphore_mem>>, %arg10: memref<!tpu.dma_semaphore, #tpu.memory_space<semaphore_mem>>, %arg11: memref<!tpu.dma_semaphore, #tpu.memory_space<semaphore_mem>>, %arg12: memref<!tpu.dma_semaphore, #tpu.memory_space<semaphore_mem>>) attributes {dimension_semantics = [#tpu.dimension_semantics<core_parallel>, #tpu.dimension_semantics<subcore_parallel>], iteration_bounds = array<i64: 2, 16>, scalar_prefetch = 0 : i64, scratch_operands = 8 : i64, tpu.core_type = #tpu.core_type<sc_vector_subcore>, window_params = [{transform_indices = #map}, {transform_indices = #map1}, {transform_indices = #map}]} {
    %mul3A = arith.constant 2 : i32
    %mul3A_0 = arith.muli %arg1, %mul3A : i32
    %add3A = arith.addi %mul3A_0, %arg0 : i32
    %mul3A_1 = arith.constant 1600 : i32
    %mul3A_2 = arith.muli %add3A, %mul3A_1 : i32
    "tpu.region"() ({
      %run_scoped3A = tpu.sem_alloc : memref<!tpu.dma_semaphore, #tpu.memory_space<semaphore_mem>>
      %dma_start3A_71 = tpu.memref_slice %arg3[%mul3A_2] : memref<51200xi32, #tpu.memory_space<hbm>> -> memref<400xi32, #tpu.memory_space<hbm>>
      %dma_start3A_72 = tpu.memref_slice %arg3[%mul3A_2] : memref<51200xi32, #tpu.memory_space<hbm>> -> memref<400xi32, #tpu.memory_space<hbm>>
      tpu.enqueue_dma source(%dma_start3A_72 : memref<400xi32, #tpu.memory_space<hbm>>) target(%arg5 : memref<400xi32, #tpu.memory_space<vmem>>) target_semaphore(%run_scoped3A : memref<!tpu.dma_semaphore, #tpu.memory_space<semaphore_mem>>)
      %dma_wait3A_73 = tpu.memref_slice %arg3[%mul3A_2] : memref<51200xi32, #tpu.memory_space<hbm>> -> memref<400xi32, #tpu.memory_space<hbm>>
      %dma_wait3A_74 = tpu.memref_slice %arg3[%mul3A_2] : memref<51200xi32, #tpu.memory_space<hbm>> -> memref<400xi32, #tpu.memory_space<hbm>>
      tpu.wait_dma2 semaphore(%run_scoped3A : memref<!tpu.dma_semaphore, #tpu.memory_space<semaphore_mem>>) src(%dma_wait3A_74 : memref<400xi32, #tpu.memory_space<hbm>>) dst(%arg5 : memref<400xi32, #tpu.memory_space<vmem>>)
      tpu.yield
    }) : () -> ()
    %dma_start3A = arith.constant 0 : i32
    %dma_start3A_3 = arith.constant 0 : i32
    %dma_start3A_4 = tpu.memref_slice %arg2[%dma_start3A, %dma_start3A_3] : memref<1000x128xf32, #tpu.memory_space<hbm>> -> memref<1000x128xf32, #tpu.memory_space<hbm>>
    tpu.enqueue_indirect_dma source(%dma_start3A_4 : memref<1000x128xf32, #tpu.memory_space<hbm>>) target(%arg7 : memref<400x128xf32, #tpu.memory_space<vmem>>) offsets(%arg5 : memref<400xi32, #tpu.memory_space<vmem>>) semaphore(%arg9 : memref<!tpu.dma_semaphore, #tpu.memory_space<semaphore_mem>>)
    %add3A_5 = arith.constant 400 : i32
    %add3A_6 = arith.addi %mul3A_2, %add3A_5 : i32
    "tpu.region"() ({
      %run_scoped3A = tpu.sem_alloc : memref<!tpu.dma_semaphore, #tpu.memory_space<semaphore_mem>>
      %dma_start3A_71 = tpu.memref_slice %arg3[%add3A_6] : memref<51200xi32, #tpu.memory_space<hbm>> -> memref<400xi32, #tpu.memory_space<hbm>>
      %dma_start3A_72 = tpu.memref_slice %arg3[%add3A_6] : memref<51200xi32, #tpu.memory_space<hbm>> -> memref<400xi32, #tpu.memory_space<hbm>>
      tpu.enqueue_dma source(%dma_start3A_72 : memref<400xi32, #tpu.memory_space<hbm>>) target(%arg6 : memref<400xi32, #tpu.memory_space<vmem>>) target_semaphore(%run_scoped3A : memref<!tpu.dma_semaphore, #tpu.memory_space<semaphore_mem>>)
      %dma_wait3A_73 = tpu.memref_slice %arg3[%add3A_6] : memref<51200xi32, #tpu.memory_space<hbm>> -> memref<400xi32, #tpu.memory_space<hbm>>
      %dma_wait3A_74 = tpu.memref_slice %arg3[%add3A_6] : memref<51200xi32, #tpu.memory_space<hbm>> -> memref<400xi32, #tpu.memory_space<hbm>>
      tpu.wait_dma2 semaphore(%run_scoped3A : memref<!tpu.dma_semaphore, #tpu.memory_space<semaphore_mem>>) src(%dma_wait3A_74 : memref<400xi32, #tpu.memory_space<hbm>>) dst(%arg6 : memref<400xi32, #tpu.memory_space<vmem>>)
      tpu.yield
    }) : () -> ()
    %dma_start3A_7 = arith.constant 0 : i32
    %dma_start3A_8 = arith.constant 0 : i32
    %dma_start3A_9 = tpu.memref_slice %arg2[%dma_start3A_7, %dma_start3A_8] : memref<1000x128xf32, #tpu.memory_space<hbm>> -> memref<1000x128xf32, #tpu.memory_space<hbm>>
    tpu.enqueue_indirect_dma source(%dma_start3A_9 : memref<1000x128xf32, #tpu.memory_space<hbm>>) target(%arg8 : memref<400x128xf32, #tpu.memory_space<vmem>>) offsets(%arg6 : memref<400xi32, #tpu.memory_space<vmem>>) semaphore(%arg10 : memref<!tpu.dma_semaphore, #tpu.memory_space<semaphore_mem>>)
    %dma_wait3A = arith.constant 0 : i32
    %dma_wait3A_10 = arith.constant 0 : i32
    %dma_wait3A_11 = tpu.memref_slice %arg2[%dma_wait3A, %dma_wait3A_10] : memref<1000x128xf32, #tpu.memory_space<hbm>> -> memref<1000x128xf32, #tpu.memory_space<hbm>>
    tpu.wait_indirect_dma semaphore(%arg9 : memref<!tpu.dma_semaphore, #tpu.memory_space<semaphore_mem>>) src(%dma_wait3A_11 : memref<1000x128xf32, #tpu.memory_space<hbm>>) dst(%arg7 : memref<400x128xf32, #tpu.memory_space<vmem>>)
    %add3A_12 = arith.constant 0 : i32
    %add3A_13 = arith.addi %mul3A_2, %add3A_12 : i32
    %dma_start3A_14 = arith.constant 0 : i32
    %dma_start3A_15 = tpu.memref_slice %arg4[%add3A_13, %dma_start3A_14] : memref<51200x128xf32, #tpu.memory_space<hbm>> -> memref<400x128xf32, #tpu.memory_space<hbm>>
    %dma_start3A_16 = arith.constant 0 : i32
    %dma_start3A_17 = tpu.memref_slice %arg4[%add3A_13, %dma_start3A_16] : memref<51200x128xf32, #tpu.memory_space<hbm>> -> memref<400x128xf32, #tpu.memory_space<hbm>>
    tpu.enqueue_dma source(%arg7 : memref<400x128xf32, #tpu.memory_space<vmem>>) target(%dma_start3A_17 : memref<400x128xf32, #tpu.memory_space<hbm>>) target_semaphore(%arg11 : memref<!tpu.dma_semaphore, #tpu.memory_space<semaphore_mem>>)
    %dma_wait3A_18 = arith.constant 0 : i32
    %dma_wait3A_19 = tpu.memref_slice %arg4[%add3A_13, %dma_wait3A_18] : memref<51200x128xf32, #tpu.memory_space<hbm>> -> memref<400x128xf32, #tpu.memory_space<hbm>>
    %dma_wait3A_20 = arith.constant 0 : i32
    %dma_wait3A_21 = tpu.memref_slice %arg4[%add3A_13, %dma_wait3A_20] : memref<51200x128xf32, #tpu.memory_space<hbm>> -> memref<400x128xf32, #tpu.memory_space<hbm>>
    tpu.wait_dma2 semaphore(%arg11 : memref<!tpu.dma_semaphore, #tpu.memory_space<semaphore_mem>>) src(%arg7 : memref<400x128xf32, #tpu.memory_space<vmem>>) dst(%dma_wait3A_21 : memref<400x128xf32, #tpu.memory_space<hbm>>)
    %add3A_22 = arith.constant 800 : i32
    %add3A_23 = arith.addi %mul3A_2, %add3A_22 : i32
    "tpu.region"() ({
      %run_scoped3A = tpu.sem_alloc : memref<!tpu.dma_semaphore, #tpu.memory_space<semaphore_mem>>
      %dma_start3A_71 = tpu.memref_slice %arg3[%add3A_23] : memref<51200xi32, #tpu.memory_space<hbm>> -> memref<400xi32, #tpu.memory_space<hbm>>
      %dma_start3A_72 = tpu.memref_slice %arg3[%add3A_23] : memref<51200xi32, #tpu.memory_space<hbm>> -> memref<400xi32, #tpu.memory_space<hbm>>
      tpu.enqueue_dma source(%dma_start3A_72 : memref<400xi32, #tpu.memory_space<hbm>>) target(%arg5 : memref<400xi32, #tpu.memory_space<vmem>>) target_semaphore(%run_scoped3A : memref<!tpu.dma_semaphore, #tpu.memory_space<semaphore_mem>>)
      %dma_wait3A_73 = tpu.memref_slice %arg3[%add3A_23] : memref<51200xi32, #tpu.memory_space<hbm>> -> memref<400xi32, #tpu.memory_space<hbm>>
      %dma_wait3A_74 = tpu.memref_slice %arg3[%add3A_23] : memref<51200xi32, #tpu.memory_space<hbm>> -> memref<400xi32, #tpu.memory_space<hbm>>
      tpu.wait_dma2 semaphore(%run_scoped3A : memref<!tpu.dma_semaphore, #tpu.memory_space<semaphore_mem>>) src(%dma_wait3A_74 : memref<400xi32, #tpu.memory_space<hbm>>) dst(%arg5 : memref<400xi32, #tpu.memory_space<vmem>>)
      tpu.yield
    }) : () -> ()
    %dma_start3A_24 = arith.constant 0 : i32
    %dma_start3A_25 = arith.constant 0 : i32
    %dma_start3A_26 = tpu.memref_slice %arg2[%dma_start3A_24, %dma_start3A_25] : memref<1000x128xf32, #tpu.memory_space<hbm>> -> memref<1000x128xf32, #tpu.memory_space<hbm>>
    tpu.enqueue_indirect_dma source(%dma_start3A_26 : memref<1000x128xf32, #tpu.memory_space<hbm>>) target(%arg7 : memref<400x128xf32, #tpu.memory_space<vmem>>) offsets(%arg5 : memref<400xi32, #tpu.memory_space<vmem>>) semaphore(%arg9 : memref<!tpu.dma_semaphore, #tpu.memory_space<semaphore_mem>>)
    %dma_wait3A_27 = arith.constant 0 : i32
    %dma_wait3A_28 = arith.constant 0 : i32
    %dma_wait3A_29 = tpu.memref_slice %arg2[%dma_wait3A_27, %dma_wait3A_28] : memref<1000x128xf32, #tpu.memory_space<hbm>> -> memref<1000x128xf32, #tpu.memory_space<hbm>>
    tpu.wait_indirect_dma semaphore(%arg10 : memref<!tpu.dma_semaphore, #tpu.memory_space<semaphore_mem>>) src(%dma_wait3A_29 : memref<1000x128xf32, #tpu.memory_space<hbm>>) dst(%arg8 : memref<400x128xf32, #tpu.memory_space<vmem>>)
    %add3A_30 = arith.constant 400 : i32
    %add3A_31 = arith.addi %mul3A_2, %add3A_30 : i32
    %dma_start3A_32 = arith.constant 0 : i32
    %dma_start3A_33 = tpu.memref_slice %arg4[%add3A_31, %dma_start3A_32] : memref<51200x128xf32, #tpu.memory_space<hbm>> -> memref<400x128xf32, #tpu.memory_space<hbm>>
    %dma_start3A_34 = arith.constant 0 : i32
    %dma_start3A_35 = tpu.memref_slice %arg4[%add3A_31, %dma_start3A_34] : memref<51200x128xf32, #tpu.memory_space<hbm>> -> memref<400x128xf32, #tpu.memory_space<hbm>>
    tpu.enqueue_dma source(%arg8 : memref<400x128xf32, #tpu.memory_space<vmem>>) target(%dma_start3A_35 : memref<400x128xf32, #tpu.memory_space<hbm>>) target_semaphore(%arg12 : memref<!tpu.dma_semaphore, #tpu.memory_space<semaphore_mem>>)
    %dma_wait3A_36 = arith.constant 0 : i32
    %dma_wait3A_37 = tpu.memref_slice %arg4[%add3A_31, %dma_wait3A_36] : memref<51200x128xf32, #tpu.memory_space<hbm>> -> memref<400x128xf32, #tpu.memory_space<hbm>>
    %dma_wait3A_38 = arith.constant 0 : i32
    %dma_wait3A_39 = tpu.memref_slice %arg4[%add3A_31, %dma_wait3A_38] : memref<51200x128xf32, #tpu.memory_space<hbm>> -> memref<400x128xf32, #tpu.memory_space<hbm>>
    tpu.wait_dma2 semaphore(%arg12 : memref<!tpu.dma_semaphore, #tpu.memory_space<semaphore_mem>>) src(%arg8 : memref<400x128xf32, #tpu.memory_space<vmem>>) dst(%dma_wait3A_39 : memref<400x128xf32, #tpu.memory_space<hbm>>)
    %add3A_40 = arith.constant 1200 : i32
    %add3A_41 = arith.addi %mul3A_2, %add3A_40 : i32
    "tpu.region"() ({
      %run_scoped3A = tpu.sem_alloc : memref<!tpu.dma_semaphore, #tpu.memory_space<semaphore_mem>>
      %dma_start3A_71 = tpu.memref_slice %arg3[%add3A_41] : memref<51200xi32, #tpu.memory_space<hbm>> -> memref<400xi32, #tpu.memory_space<hbm>>
      %dma_start3A_72 = tpu.memref_slice %arg3[%add3A_41] : memref<51200xi32, #tpu.memory_space<hbm>> -> memref<400xi32, #tpu.memory_space<hbm>>
      tpu.enqueue_dma source(%dma_start3A_72 : memref<400xi32, #tpu.memory_space<hbm>>) target(%arg6 : memref<400xi32, #tpu.memory_space<vmem>>) target_semaphore(%run_scoped3A : memref<!tpu.dma_semaphore, #tpu.memory_space<semaphore_mem>>)
      %dma_wait3A_73 = tpu.memref_slice %arg3[%add3A_41] : memref<51200xi32, #tpu.memory_space<hbm>> -> memref<400xi32, #tpu.memory_space<hbm>>
      %dma_wait3A_74 = tpu.memref_slice %arg3[%add3A_41] : memref<51200xi32, #tpu.memory_space<hbm>> -> memref<400xi32, #tpu.memory_space<hbm>>
      tpu.wait_dma2 semaphore(%run_scoped3A : memref<!tpu.dma_semaphore, #tpu.memory_space<semaphore_mem>>) src(%dma_wait3A_74 : memref<400xi32, #tpu.memory_space<hbm>>) dst(%arg6 : memref<400xi32, #tpu.memory_space<vmem>>)
      tpu.yield
    }) : () -> ()
    %dma_start3A_42 = arith.constant 0 : i32
    %dma_start3A_43 = arith.constant 0 : i32
    %dma_start3A_44 = tpu.memref_slice %arg2[%dma_start3A_42, %dma_start3A_43] : memref<1000x128xf32, #tpu.memory_space<hbm>> -> memref<1000x128xf32, #tpu.memory_space<hbm>>
    tpu.enqueue_indirect_dma source(%dma_start3A_44 : memref<1000x128xf32, #tpu.memory_space<hbm>>) target(%arg8 : memref<400x128xf32, #tpu.memory_space<vmem>>) offsets(%arg6 : memref<400xi32, #tpu.memory_space<vmem>>) semaphore(%arg10 : memref<!tpu.dma_semaphore, #tpu.memory_space<semaphore_mem>>)
    %dma_wait3A_45 = arith.constant 0 : i32
    %dma_wait3A_46 = arith.constant 0 : i32
    %dma_wait3A_47 = tpu.memref_slice %arg2[%dma_wait3A_45, %dma_wait3A_46] : memref<1000x128xf32, #tpu.memory_space<hbm>> -> memref<1000x128xf32, #tpu.memory_space<hbm>>
    tpu.wait_indirect_dma semaphore(%arg9 : memref<!tpu.dma_semaphore, #tpu.memory_space<semaphore_mem>>) src(%dma_wait3A_47 : memref<1000x128xf32, #tpu.memory_space<hbm>>) dst(%arg7 : memref<400x128xf32, #tpu.memory_space<vmem>>)
    %add3A_48 = arith.constant 800 : i32
    %add3A_49 = arith.addi %mul3A_2, %add3A_48 : i32
    %dma_start3A_50 = arith.constant 0 : i32
    %dma_start3A_51 = tpu.memref_slice %arg4[%add3A_49, %dma_start3A_50] : memref<51200x128xf32, #tpu.memory_space<hbm>> -> memref<400x128xf32, #tpu.memory_space<hbm>>
    %dma_start3A_52 = arith.constant 0 : i32
    %dma_start3A_53 = tpu.memref_slice %arg4[%add3A_49, %dma_start3A_52] : memref<51200x128xf32, #tpu.memory_space<hbm>> -> memref<400x128xf32, #tpu.memory_space<hbm>>
    tpu.enqueue_dma source(%arg7 : memref<400x128xf32, #tpu.memory_space<vmem>>) target(%dma_start3A_53 : memref<400x128xf32, #tpu.memory_space<hbm>>) target_semaphore(%arg11 : memref<!tpu.dma_semaphore, #tpu.memory_space<semaphore_mem>>)
    %dma_wait3A_54 = arith.constant 0 : i32
    %dma_wait3A_55 = arith.constant 0 : i32
    %dma_wait3A_56 = tpu.memref_slice %arg2[%dma_wait3A_54, %dma_wait3A_55] : memref<1000x128xf32, #tpu.memory_space<hbm>> -> memref<1000x128xf32, #tpu.memory_space<hbm>>
    tpu.wait_indirect_dma semaphore(%arg10 : memref<!tpu.dma_semaphore, #tpu.memory_space<semaphore_mem>>) src(%dma_wait3A_56 : memref<1000x128xf32, #tpu.memory_space<hbm>>) dst(%arg8 : memref<400x128xf32, #tpu.memory_space<vmem>>)
    %add3A_57 = arith.constant 1200 : i32
    %add3A_58 = arith.addi %mul3A_2, %add3A_57 : i32
    %dma_start3A_59 = arith.constant 0 : i32
    %dma_start3A_60 = tpu.memref_slice %arg4[%add3A_58, %dma_start3A_59] : memref<51200x128xf32, #tpu.memory_space<hbm>> -> memref<400x128xf32, #tpu.memory_space<hbm>>
    %dma_start3A_61 = arith.constant 0 : i32
    %dma_start3A_62 = tpu.memref_slice %arg4[%add3A_58, %dma_start3A_61] : memref<51200x128xf32, #tpu.memory_space<hbm>> -> memref<400x128xf32, #tpu.memory_space<hbm>>
    tpu.enqueue_dma source(%arg8 : memref<400x128xf32, #tpu.memory_space<vmem>>) target(%dma_start3A_62 : memref<400x128xf32, #tpu.memory_space<hbm>>) target_semaphore(%arg12 : memref<!tpu.dma_semaphore, #tpu.memory_space<semaphore_mem>>)
    %dma_wait3A_63 = arith.constant 0 : i32
    %dma_wait3A_64 = tpu.memref_slice %arg4[%add3A_49, %dma_wait3A_63] : memref<51200x128xf32, #tpu.memory_space<hbm>> -> memref<400x128xf32, #tpu.memory_space<hbm>>
    %dma_wait3A_65 = arith.constant 0 : i32
    %dma_wait3A_66 = tpu.memref_slice %arg4[%add3A_49, %dma_wait3A_65] : memref<51200x128xf32, #tpu.memory_space<hbm>> -> memref<400x128xf32, #tpu.memory_space<hbm>>
    tpu.wait_dma2 semaphore(%arg11 : memref<!tpu.dma_semaphore, #tpu.memory_space<semaphore_mem>>) src(%arg7 : memref<400x128xf32, #tpu.memory_space<vmem>>) dst(%dma_wait3A_66 : memref<400x128xf32, #tpu.memory_space<hbm>>)
    %dma_wait3A_67 = arith.constant 0 : i32
    %dma_wait3A_68 = tpu.memref_slice %arg4[%add3A_58, %dma_wait3A_67] : memref<51200x128xf32, #tpu.memory_space<hbm>> -> memref<400x128xf32, #tpu.memory_space<hbm>>
    %dma_wait3A_69 = arith.constant 0 : i32
    %dma_wait3A_70 = tpu.memref_slice %arg4[%add3A_58, %dma_wait3A_69] : memref<51200x128xf32, #tpu.memory_space<hbm>> -> memref<400x128xf32, #tpu.memory_space<hbm>>
    tpu.wait_dma2 semaphore(%arg12 : memref<!tpu.dma_semaphore, #tpu.memory_space<semaphore_mem>>) src(%arg8 : memref<400x128xf32, #tpu.memory_space<vmem>>) dst(%dma_wait3A_70 : memref<400x128xf32, #tpu.memory_space<hbm>>)
    return
  }
}

module attributes {stable_mosaic.version = 14 : i64} {
  func.func @body(%arg0: i32, %arg1: memref<2x1024x128xf32, #tpu.memory_space<vmem>>, %arg2: memref<128x128xf32, #tpu.memory_space<vmem>>, %arg3: memref<1x128xf32, #tpu.memory_space<vmem>>, %arg4: memref<128x1000xf32, #tpu.memory_space<vmem>>, %arg5: memref<1x1000xf32, #tpu.memory_space<vmem>>, %arg6: memref<2x1000x1024xf32, #tpu.memory_space<vmem>>, %arg7: memref<1000x128xbf16, #tpu.memory_space<vmem>>, %arg8: memref<1000x1xf32, #tpu.memory_space<vmem>>) attributes {dimension_semantics = [#tpu.dimension_semantics<arbitrary>], iteration_bounds = array<i64: 25>, scalar_prefetch = 0 : i64, scratch_operands = 2 : i64, tpu.core_type = #tpu.core_type<tc>, window_params = [{transform_indices = @transform_0, window_bounds = array<i64: 2, 1024, 128>}, {pipeline_mode = #tpu.pipeline_mode<synchronous>, transform_indices = @transform_1, window_bounds = array<i64: 128, 128>}, {pipeline_mode = #tpu.pipeline_mode<synchronous>, transform_indices = @transform_2, window_bounds = array<i64: 1, 128>}, {pipeline_mode = #tpu.pipeline_mode<synchronous>, transform_indices = @transform_3, window_bounds = array<i64: 128, 1000>}, {pipeline_mode = #tpu.pipeline_mode<synchronous>, transform_indices = @transform_4, window_bounds = array<i64: 1, 1000>}, {transform_indices = @transform_5, window_bounds = array<i64: 2, 1000, 1024>}]} {
    %eq3A = arith.constant 0 : i32
    %eq3A_0 = arith.cmpi eq, %arg0, %eq3A : i32
    %convert_element_type3A = arith.extui %eq3A_0 : i1 to i32
    %cond3A = arith.constant 0 : i32
    %cond3A_1 = arith.cmpi ne, %convert_element_type3A, %cond3A : i32
    scf.if %cond3A_1 {
      %get3A_202 = arith.constant 0 : index
      %get3A_203 = arith.constant 0 : index
      %get3A_204 = vector.load %arg4[%get3A_202, %get3A_203] : memref<128x1000xf32, #tpu.memory_space<vmem>>, vector<128x1000xf32>
      %transpose3A = tpu.transpose %get3A_204, [1, 0] : vector<128x1000xf32> -> vector<1000x128xf32>
      %convert_element_type3A_205 = arith.truncf %transpose3A : vector<1000x128xf32> to vector<1000x128xbf16>
      %swap3A_206 = arith.constant 0 : index
      %swap3A_207 = arith.constant 0 : index
      %swap3A_208 = vector.load %arg7[%swap3A_206, %swap3A_207] : memref<1000x128xbf16, #tpu.memory_space<vmem>>, vector<1000x128xbf16>
      tpu.vector_store %arg7[%swap3A_206, %swap3A_207], %convert_element_type3A_205 {strides = array<i32>} : memref<1000x128xbf16, #tpu.memory_space<vmem>>, vector<1000x128xbf16>,
      %get3A_209 = arith.constant 0 : index
      %get3A_210 = arith.constant 0 : index
      %get3A_211 = vector.load %arg5[%get3A_209, %get3A_210] : memref<1x1000xf32, #tpu.memory_space<vmem>>, vector<1x1000xf32>
      %transpose3A_212 = tpu.transpose %get3A_211, [1, 0] : vector<1x1000xf32> -> vector<1000x1xf32>
      %swap3A_213 = arith.constant 0 : index
      %swap3A_214 = arith.constant 0 : index
      %swap3A_215 = vector.load %arg8[%swap3A_213, %swap3A_214] : memref<1000x1xf32, #tpu.memory_space<vmem>>, vector<1000x1xf32>
      tpu.vector_store %arg8[%swap3A_213, %swap3A_214], %transpose3A_212 {strides = array<i32>} : memref<1000x1xf32, #tpu.memory_space<vmem>>, vector<1000x1xf32>,
    } else {
    }
    %get3A = arith.constant 0 : index
    %get3A_2 = arith.constant 0 : index
    %get3A_3 = vector.load %arg2[%get3A, %get3A_2] : memref<128x128xf32, #tpu.memory_space<vmem>>, vector<128x128xf32>
    %convert_element_type3A_4 = arith.truncf %get3A_3 : vector<128x128xf32> to vector<128x128xbf16>
    %get3A_5 = arith.constant 0 : index
    %get3A_6 = arith.constant 0 : index
    %get3A_7 = vector.load %arg3[%get3A_5, %get3A_6] : memref<1x128xf32, #tpu.memory_space<vmem>>, vector<1x128xf32>
    %get3A_8 = arith.constant 0 : index
    %get3A_9 = arith.constant 0 : index
    %get3A_10 = vector.load %arg7[%get3A_8, %get3A_9] : memref<1000x128xbf16, #tpu.memory_space<vmem>>, vector<1000x128xbf16>
    %get3A_11 = arith.constant 0 : index
    %get3A_12 = arith.constant 0 : index
    %get3A_13 = vector.load %arg8[%get3A_11, %get3A_12] : memref<1000x1xf32, #tpu.memory_space<vmem>>, vector<1000x1xf32>
    %get3A_14 = arith.constant 0 : index
    %get3A_15 = arith.constant 0 : index
    %get3A_16 = arith.constant 0 : index
    %get3A_17 = vector.load %arg1[%get3A_14, %get3A_15, %get3A_16] : memref<2x1024x128xf32, #tpu.memory_space<vmem>>, vector<1x256x128xf32>
    %get3A_18 = vector.shape_cast %get3A_17 : vector<1x256x128xf32> to vector<256x128xf32>
    %convert_element_type3A_19 = arith.truncf %get3A_18 : vector<256x128xf32> to vector<256x128xbf16>
    %dot_general3A = arith.constant dense<0.000000e+00> : vector<256x128xf32>
    %dot_general3A_20 = tpu.matmul %convert_element_type3A_19, %convert_element_type3A_4, %dot_general3A {dimension_numbers = #tpu.dot_dimension_numbers<[1], [0], [0], [1], [0, 0, 1, 1], [], []>, transpose_lhs_hint = false} : vector<256x128xbf16>, vector<128x128xbf16>, vector<256x128xf32> -> vector<256x128xf32>
    %add3A = vector.broadcast %get3A_7 : vector<1x128xf32> to vector<256x128xf32>
    %add3A_21 = arith.addf %dot_general3A_20, %add3A : vector<256x128xf32>
    %max3A = arith.constant 0.000000e+00 : f32
    %max3A_22 = vector.broadcast %max3A : f32 to vector<256x128xf32>
    %max3A_23 = arith.maximumf %add3A_21, %max3A_22 : vector<256x128xf32>
    %convert_element_type3A_24 = arith.truncf %max3A_23 : vector<256x128xf32> to vector<256x128xbf16>
    %dot_general3A_25 = arith.constant dense<0.000000e+00> : vector<1000x256xf32>
    %dot_general3A_26 = tpu.matmul %get3A_10, %convert_element_type3A_24, %dot_general3A_25 {dimension_numbers = #tpu.dot_dimension_numbers<[1], [1], [0], [0], [0, 0, 1, 0], [], []>, transpose_lhs_hint = false} : vector<1000x128xbf16>, vector<256x128xbf16>, vector<1000x256xf32> -> vector<1000x256xf32>
    %add3A_27 = vector.broadcast %get3A_13 : vector<1000x1xf32> to vector<1000x256xf32>
    %add3A_28 = arith.addf %dot_general3A_26, %add3A_27 : vector<1000x256xf32>
    %swap3A = arith.constant 0 : index
    %swap3A_29 = arith.constant 0 : index
    %swap3A_30 = arith.constant 0 : index
    %swap3A_31 = vector.load %arg6[%swap3A, %swap3A_29, %swap3A_30] : memref<2x1000x1024xf32, #tpu.memory_space<vmem>>, vector<1x1000x256xf32>
    %swap3A_32 = vector.shape_cast %swap3A_31 : vector<1x1000x256xf32> to vector<1000x256xf32>
    %swap3A_33 = vector.shape_cast %add3A_28 : vector<1000x256xf32> to vector<1x1000x256xf32>
    tpu.vector_store %arg6[%swap3A, %swap3A_29, %swap3A_30], %swap3A_33 {strides = array<i32>} : memref<2x1000x1024xf32, #tpu.memory_space<vmem>>, vector<1x1000x256xf32>,
    %get3A_34 = arith.constant 0 : index
    %get3A_35 = arith.constant 256 : index
    %get3A_36 = arith.constant 0 : index
    %get3A_37 = vector.load %arg1[%get3A_34, %get3A_35, %get3A_36] : memref<2x1024x128xf32, #tpu.memory_space<vmem>>, vector<1x256x128xf32>
    %get3A_38 = vector.shape_cast %get3A_37 : vector<1x256x128xf32> to vector<256x128xf32>
    %convert_element_type3A_39 = arith.truncf %get3A_38 : vector<256x128xf32> to vector<256x128xbf16>
    %dot_general3A_40 = arith.constant dense<0.000000e+00> : vector<256x128xf32>
    %dot_general3A_41 = tpu.matmul %convert_element_type3A_39, %convert_element_type3A_4, %dot_general3A_40 {dimension_numbers = #tpu.dot_dimension_numbers<[1], [0], [0], [1], [0, 0, 1, 1], [], []>, transpose_lhs_hint = false} : vector<256x128xbf16>, vector<128x128xbf16>, vector<256x128xf32> -> vector<256x128xf32>
    %add3A_42 = vector.broadcast %get3A_7 : vector<1x128xf32> to vector<256x128xf32>
    %add3A_43 = arith.addf %dot_general3A_41, %add3A_42 : vector<256x128xf32>
    %max3A_44 = arith.constant 0.000000e+00 : f32
    %max3A_45 = vector.broadcast %max3A_44 : f32 to vector<256x128xf32>
    %max3A_46 = arith.maximumf %add3A_43, %max3A_45 : vector<256x128xf32>
    %convert_element_type3A_47 = arith.truncf %max3A_46 : vector<256x128xf32> to vector<256x128xbf16>
    %dot_general3A_48 = arith.constant dense<0.000000e+00> : vector<1000x256xf32>
    %dot_general3A_49 = tpu.matmul %get3A_10, %convert_element_type3A_47, %dot_general3A_48 {dimension_numbers = #tpu.dot_dimension_numbers<[1], [1], [0], [0], [0, 0, 1, 0], [], []>, transpose_lhs_hint = false} : vector<1000x128xbf16>, vector<256x128xbf16>, vector<1000x256xf32> -> vector<1000x256xf32>
    %add3A_50 = vector.broadcast %get3A_13 : vector<1000x1xf32> to vector<1000x256xf32>
    %add3A_51 = arith.addf %dot_general3A_49, %add3A_50 : vector<1000x256xf32>
    %swap3A_52 = arith.constant 0 : index
    %swap3A_53 = arith.constant 0 : index
    %swap3A_54 = arith.constant 256 : index
    %swap3A_55 = vector.load %arg6[%swap3A_52, %swap3A_53, %swap3A_54] : memref<2x1000x1024xf32, #tpu.memory_space<vmem>>, vector<1x1000x256xf32>
    %swap3A_56 = vector.shape_cast %swap3A_55 : vector<1x1000x256xf32> to vector<1000x256xf32>
    %swap3A_57 = vector.shape_cast %add3A_51 : vector<1000x256xf32> to vector<1x1000x256xf32>
    tpu.vector_store %arg6[%swap3A_52, %swap3A_53, %swap3A_54], %swap3A_57 {strides = array<i32>} : memref<2x1000x1024xf32, #tpu.memory_space<vmem>>, vector<1x1000x256xf32>,
    %get3A_58 = arith.constant 0 : index
    %get3A_59 = arith.constant 512 : index
    %get3A_60 = arith.constant 0 : index
    %get3A_61 = vector.load %arg1[%get3A_58, %get3A_59, %get3A_60] : memref<2x1024x128xf32, #tpu.memory_space<vmem>>, vector<1x256x128xf32>
    %get3A_62 = vector.shape_cast %get3A_61 : vector<1x256x128xf32> to vector<256x128xf32>
    %convert_element_type3A_63 = arith.truncf %get3A_62 : vector<256x128xf32> to vector<256x128xbf16>
    %dot_general3A_64 = arith.constant dense<0.000000e+00> : vector<256x128xf32>
    %dot_general3A_65 = tpu.matmul %convert_element_type3A_63, %convert_element_type3A_4, %dot_general3A_64 {dimension_numbers = #tpu.dot_dimension_numbers<[1], [0], [0], [1], [0, 0, 1, 1], [], []>, transpose_lhs_hint = false} : vector<256x128xbf16>, vector<128x128xbf16>, vector<256x128xf32> -> vector<256x128xf32>
    %add3A_66 = vector.broadcast %get3A_7 : vector<1x128xf32> to vector<256x128xf32>
    %add3A_67 = arith.addf %dot_general3A_65, %add3A_66 : vector<256x128xf32>
    %max3A_68 = arith.constant 0.000000e+00 : f32
    %max3A_69 = vector.broadcast %max3A_68 : f32 to vector<256x128xf32>
    %max3A_70 = arith.maximumf %add3A_67, %max3A_69 : vector<256x128xf32>
    %convert_element_type3A_71 = arith.truncf %max3A_70 : vector<256x128xf32> to vector<256x128xbf16>
    %dot_general3A_72 = arith.constant dense<0.000000e+00> : vector<1000x256xf32>
    %dot_general3A_73 = tpu.matmul %get3A_10, %convert_element_type3A_71, %dot_general3A_72 {dimension_numbers = #tpu.dot_dimension_numbers<[1], [1], [0], [0], [0, 0, 1, 0], [], []>, transpose_lhs_hint = false} : vector<1000x128xbf16>, vector<256x128xbf16>, vector<1000x256xf32> -> vector<1000x256xf32>
    %add3A_74 = vector.broadcast %get3A_13 : vector<1000x1xf32> to vector<1000x256xf32>
    %add3A_75 = arith.addf %dot_general3A_73, %add3A_74 : vector<1000x256xf32>
    %swap3A_76 = arith.constant 0 : index
    %swap3A_77 = arith.constant 0 : index
    %swap3A_78 = arith.constant 512 : index
    %swap3A_79 = vector.load %arg6[%swap3A_76, %swap3A_77, %swap3A_78] : memref<2x1000x1024xf32, #tpu.memory_space<vmem>>, vector<1x1000x256xf32>
    %swap3A_80 = vector.shape_cast %swap3A_79 : vector<1x1000x256xf32> to vector<1000x256xf32>
    %swap3A_81 = vector.shape_cast %add3A_75 : vector<1000x256xf32> to vector<1x1000x256xf32>
    tpu.vector_store %arg6[%swap3A_76, %swap3A_77, %swap3A_78], %swap3A_81 {strides = array<i32>} : memref<2x1000x1024xf32, #tpu.memory_space<vmem>>, vector<1x1000x256xf32>,
    %get3A_82 = arith.constant 0 : index
    %get3A_83 = arith.constant 768 : index
    %get3A_84 = arith.constant 0 : index
    %get3A_85 = vector.load %arg1[%get3A_82, %get3A_83, %get3A_84] : memref<2x1024x128xf32, #tpu.memory_space<vmem>>, vector<1x256x128xf32>
    %get3A_86 = vector.shape_cast %get3A_85 : vector<1x256x128xf32> to vector<256x128xf32>
    %convert_element_type3A_87 = arith.truncf %get3A_86 : vector<256x128xf32> to vector<256x128xbf16>
    %dot_general3A_88 = arith.constant dense<0.000000e+00> : vector<256x128xf32>
    %dot_general3A_89 = tpu.matmul %convert_element_type3A_87, %convert_element_type3A_4, %dot_general3A_88 {dimension_numbers = #tpu.dot_dimension_numbers<[1], [0], [0], [1], [0, 0, 1, 1], [], []>, transpose_lhs_hint = false} : vector<256x128xbf16>, vector<128x128xbf16>, vector<256x128xf32> -> vector<256x128xf32>
    %add3A_90 = vector.broadcast %get3A_7 : vector<1x128xf32> to vector<256x128xf32>
    %add3A_91 = arith.addf %dot_general3A_89, %add3A_90 : vector<256x128xf32>
    %max3A_92 = arith.constant 0.000000e+00 : f32
    %max3A_93 = vector.broadcast %max3A_92 : f32 to vector<256x128xf32>
    %max3A_94 = arith.maximumf %add3A_91, %max3A_93 : vector<256x128xf32>
    %convert_element_type3A_95 = arith.truncf %max3A_94 : vector<256x128xf32> to vector<256x128xbf16>
    %dot_general3A_96 = arith.constant dense<0.000000e+00> : vector<1000x256xf32>
    %dot_general3A_97 = tpu.matmul %get3A_10, %convert_element_type3A_95, %dot_general3A_96 {dimension_numbers = #tpu.dot_dimension_numbers<[1], [1], [0], [0], [0, 0, 1, 0], [], []>, transpose_lhs_hint = false} : vector<1000x128xbf16>, vector<256x128xbf16>, vector<1000x256xf32> -> vector<1000x256xf32>
    %add3A_98 = vector.broadcast %get3A_13 : vector<1000x1xf32> to vector<1000x256xf32>
    %add3A_99 = arith.addf %dot_general3A_97, %add3A_98 : vector<1000x256xf32>
    %swap3A_100 = arith.constant 0 : index
    %swap3A_101 = arith.constant 0 : index
    %swap3A_102 = arith.constant 768 : index
    %swap3A_103 = vector.load %arg6[%swap3A_100, %swap3A_101, %swap3A_102] : memref<2x1000x1024xf32, #tpu.memory_space<vmem>>, vector<1x1000x256xf32>
    %swap3A_104 = vector.shape_cast %swap3A_103 : vector<1x1000x256xf32> to vector<1000x256xf32>
    %swap3A_105 = vector.shape_cast %add3A_99 : vector<1000x256xf32> to vector<1x1000x256xf32>
    tpu.vector_store %arg6[%swap3A_100, %swap3A_101, %swap3A_102], %swap3A_105 {strides = array<i32>} : memref<2x1000x1024xf32, #tpu.memory_space<vmem>>, vector<1x1000x256xf32>,
    %get3A_106 = arith.constant 1 : index
    %get3A_107 = arith.constant 0 : index
    %get3A_108 = arith.constant 0 : index
    %get3A_109 = vector.load %arg1[%get3A_106, %get3A_107, %get3A_108] : memref<2x1024x128xf32, #tpu.memory_space<vmem>>, vector<1x256x128xf32>
    %get3A_110 = vector.shape_cast %get3A_109 : vector<1x256x128xf32> to vector<256x128xf32>
    %convert_element_type3A_111 = arith.truncf %get3A_110 : vector<256x128xf32> to vector<256x128xbf16>
    %dot_general3A_112 = arith.constant dense<0.000000e+00> : vector<256x128xf32>
    %dot_general3A_113 = tpu.matmul %convert_element_type3A_111, %convert_element_type3A_4, %dot_general3A_112 {dimension_numbers = #tpu.dot_dimension_numbers<[1], [0], [0], [1], [0, 0, 1, 1], [], []>, transpose_lhs_hint = false} : vector<256x128xbf16>, vector<128x128xbf16>, vector<256x128xf32> -> vector<256x128xf32>
    %add3A_114 = vector.broadcast %get3A_7 : vector<1x128xf32> to vector<256x128xf32>
    %add3A_115 = arith.addf %dot_general3A_113, %add3A_114 : vector<256x128xf32>
    %max3A_116 = arith.constant 0.000000e+00 : f32
    %max3A_117 = vector.broadcast %max3A_116 : f32 to vector<256x128xf32>
    %max3A_118 = arith.maximumf %add3A_115, %max3A_117 : vector<256x128xf32>
    %convert_element_type3A_119 = arith.truncf %max3A_118 : vector<256x128xf32> to vector<256x128xbf16>
    %dot_general3A_120 = arith.constant dense<0.000000e+00> : vector<1000x256xf32>
    %dot_general3A_121 = tpu.matmul %get3A_10, %convert_element_type3A_119, %dot_general3A_120 {dimension_numbers = #tpu.dot_dimension_numbers<[1], [1], [0], [0], [0, 0, 1, 0], [], []>, transpose_lhs_hint = false} : vector<1000x128xbf16>, vector<256x128xbf16>, vector<1000x256xf32> -> vector<1000x256xf32>
    %add3A_122 = vector.broadcast %get3A_13 : vector<1000x1xf32> to vector<1000x256xf32>
    %add3A_123 = arith.addf %dot_general3A_121, %add3A_122 : vector<1000x256xf32>
    %swap3A_124 = arith.constant 1 : index
    %swap3A_125 = arith.constant 0 : index
    %swap3A_126 = arith.constant 0 : index
    %swap3A_127 = vector.load %arg6[%swap3A_124, %swap3A_125, %swap3A_126] : memref<2x1000x1024xf32, #tpu.memory_space<vmem>>, vector<1x1000x256xf32>
    %swap3A_128 = vector.shape_cast %swap3A_127 : vector<1x1000x256xf32> to vector<1000x256xf32>
    %swap3A_129 = vector.shape_cast %add3A_123 : vector<1000x256xf32> to vector<1x1000x256xf32>
    tpu.vector_store %arg6[%swap3A_124, %swap3A_125, %swap3A_126], %swap3A_129 {strides = array<i32>} : memref<2x1000x1024xf32, #tpu.memory_space<vmem>>, vector<1x1000x256xf32>,
    %get3A_130 = arith.constant 1 : index
    %get3A_131 = arith.constant 256 : index
    %get3A_132 = arith.constant 0 : index
    %get3A_133 = vector.load %arg1[%get3A_130, %get3A_131, %get3A_132] : memref<2x1024x128xf32, #tpu.memory_space<vmem>>, vector<1x256x128xf32>
    %get3A_134 = vector.shape_cast %get3A_133 : vector<1x256x128xf32> to vector<256x128xf32>
    %convert_element_type3A_135 = arith.truncf %get3A_134 : vector<256x128xf32> to vector<256x128xbf16>
    %dot_general3A_136 = arith.constant dense<0.000000e+00> : vector<256x128xf32>
    %dot_general3A_137 = tpu.matmul %convert_element_type3A_135, %convert_element_type3A_4, %dot_general3A_136 {dimension_numbers = #tpu.dot_dimension_numbers<[1], [0], [0], [1], [0, 0, 1, 1], [], []>, transpose_lhs_hint = false} : vector<256x128xbf16>, vector<128x128xbf16>, vector<256x128xf32> -> vector<256x128xf32>
    %add3A_138 = vector.broadcast %get3A_7 : vector<1x128xf32> to vector<256x128xf32>
    %add3A_139 = arith.addf %dot_general3A_137, %add3A_138 : vector<256x128xf32>
    %max3A_140 = arith.constant 0.000000e+00 : f32
    %max3A_141 = vector.broadcast %max3A_140 : f32 to vector<256x128xf32>
    %max3A_142 = arith.maximumf %add3A_139, %max3A_141 : vector<256x128xf32>
    %convert_element_type3A_143 = arith.truncf %max3A_142 : vector<256x128xf32> to vector<256x128xbf16>
    %dot_general3A_144 = arith.constant dense<0.000000e+00> : vector<1000x256xf32>
    %dot_general3A_145 = tpu.matmul %get3A_10, %convert_element_type3A_143, %dot_general3A_144 {dimension_numbers = #tpu.dot_dimension_numbers<[1], [1], [0], [0], [0, 0, 1, 0], [], []>, transpose_lhs_hint = false} : vector<1000x128xbf16>, vector<256x128xbf16>, vector<1000x256xf32> -> vector<1000x256xf32>
    %add3A_146 = vector.broadcast %get3A_13 : vector<1000x1xf32> to vector<1000x256xf32>
    %add3A_147 = arith.addf %dot_general3A_145, %add3A_146 : vector<1000x256xf32>
    %swap3A_148 = arith.constant 1 : index
    %swap3A_149 = arith.constant 0 : index
    %swap3A_150 = arith.constant 256 : index
    %swap3A_151 = vector.load %arg6[%swap3A_148, %swap3A_149, %swap3A_150] : memref<2x1000x1024xf32, #tpu.memory_space<vmem>>, vector<1x1000x256xf32>
    %swap3A_152 = vector.shape_cast %swap3A_151 : vector<1x1000x256xf32> to vector<1000x256xf32>
    %swap3A_153 = vector.shape_cast %add3A_147 : vector<1000x256xf32> to vector<1x1000x256xf32>
    tpu.vector_store %arg6[%swap3A_148, %swap3A_149, %swap3A_150], %swap3A_153 {strides = array<i32>} : memref<2x1000x1024xf32, #tpu.memory_space<vmem>>, vector<1x1000x256xf32>,
    %get3A_154 = arith.constant 1 : index
    %get3A_155 = arith.constant 512 : index
    %get3A_156 = arith.constant 0 : index
    %get3A_157 = vector.load %arg1[%get3A_154, %get3A_155, %get3A_156] : memref<2x1024x128xf32, #tpu.memory_space<vmem>>, vector<1x256x128xf32>
    %get3A_158 = vector.shape_cast %get3A_157 : vector<1x256x128xf32> to vector<256x128xf32>
    %convert_element_type3A_159 = arith.truncf %get3A_158 : vector<256x128xf32> to vector<256x128xbf16>
    %dot_general3A_160 = arith.constant dense<0.000000e+00> : vector<256x128xf32>
    %dot_general3A_161 = tpu.matmul %convert_element_type3A_159, %convert_element_type3A_4, %dot_general3A_160 {dimension_numbers = #tpu.dot_dimension_numbers<[1], [0], [0], [1], [0, 0, 1, 1], [], []>, transpose_lhs_hint = false} : vector<256x128xbf16>, vector<128x128xbf16>, vector<256x128xf32> -> vector<256x128xf32>
    %add3A_162 = vector.broadcast %get3A_7 : vector<1x128xf32> to vector<256x128xf32>
    %add3A_163 = arith.addf %dot_general3A_161, %add3A_162 : vector<256x128xf32>
    %max3A_164 = arith.constant 0.000000e+00 : f32
    %max3A_165 = vector.broadcast %max3A_164 : f32 to vector<256x128xf32>
    %max3A_166 = arith.maximumf %add3A_163, %max3A_165 : vector<256x128xf32>
    %convert_element_type3A_167 = arith.truncf %max3A_166 : vector<256x128xf32> to vector<256x128xbf16>
    %dot_general3A_168 = arith.constant dense<0.000000e+00> : vector<1000x256xf32>
    %dot_general3A_169 = tpu.matmul %get3A_10, %convert_element_type3A_167, %dot_general3A_168 {dimension_numbers = #tpu.dot_dimension_numbers<[1], [1], [0], [0], [0, 0, 1, 0], [], []>, transpose_lhs_hint = false} : vector<1000x128xbf16>, vector<256x128xbf16>, vector<1000x256xf32> -> vector<1000x256xf32>
    %add3A_170 = vector.broadcast %get3A_13 : vector<1000x1xf32> to vector<1000x256xf32>
    %add3A_171 = arith.addf %dot_general3A_169, %add3A_170 : vector<1000x256xf32>
    %swap3A_172 = arith.constant 1 : index
    %swap3A_173 = arith.constant 0 : index
    %swap3A_174 = arith.constant 512 : index
    %swap3A_175 = vector.load %arg6[%swap3A_172, %swap3A_173, %swap3A_174] : memref<2x1000x1024xf32, #tpu.memory_space<vmem>>, vector<1x1000x256xf32>
    %swap3A_176 = vector.shape_cast %swap3A_175 : vector<1x1000x256xf32> to vector<1000x256xf32>
    %swap3A_177 = vector.shape_cast %add3A_171 : vector<1000x256xf32> to vector<1x1000x256xf32>
    tpu.vector_store %arg6[%swap3A_172, %swap3A_173, %swap3A_174], %swap3A_177 {strides = array<i32>} : memref<2x1000x1024xf32, #tpu.memory_space<vmem>>, vector<1x1000x256xf32>,
    %get3A_178 = arith.constant 1 : index
    %get3A_179 = arith.constant 768 : index
    %get3A_180 = arith.constant 0 : index
    %get3A_181 = vector.load %arg1[%get3A_178, %get3A_179, %get3A_180] : memref<2x1024x128xf32, #tpu.memory_space<vmem>>, vector<1x256x128xf32>
    %get3A_182 = vector.shape_cast %get3A_181 : vector<1x256x128xf32> to vector<256x128xf32>
    %convert_element_type3A_183 = arith.truncf %get3A_182 : vector<256x128xf32> to vector<256x128xbf16>
    %dot_general3A_184 = arith.constant dense<0.000000e+00> : vector<256x128xf32>
    %dot_general3A_185 = tpu.matmul %convert_element_type3A_183, %convert_element_type3A_4, %dot_general3A_184 {dimension_numbers = #tpu.dot_dimension_numbers<[1], [0], [0], [1], [0, 0, 1, 1], [], []>, transpose_lhs_hint = false} : vector<256x128xbf16>, vector<128x128xbf16>, vector<256x128xf32> -> vector<256x128xf32>
    %add3A_186 = vector.broadcast %get3A_7 : vector<1x128xf32> to vector<256x128xf32>
    %add3A_187 = arith.addf %dot_general3A_185, %add3A_186 : vector<256x128xf32>
    %max3A_188 = arith.constant 0.000000e+00 : f32
    %max3A_189 = vector.broadcast %max3A_188 : f32 to vector<256x128xf32>
    %max3A_190 = arith.maximumf %add3A_187, %max3A_189 : vector<256x128xf32>
    %convert_element_type3A_191 = arith.truncf %max3A_190 : vector<256x128xf32> to vector<256x128xbf16>
    %dot_general3A_192 = arith.constant dense<0.000000e+00> : vector<1000x256xf32>
    %dot_general3A_193 = tpu.matmul %get3A_10, %convert_element_type3A_191, %dot_general3A_192 {dimension_numbers = #tpu.dot_dimension_numbers<[1], [1], [0], [0], [0, 0, 1, 0], [], []>, transpose_lhs_hint = false} : vector<1000x128xbf16>, vector<256x128xbf16>, vector<1000x256xf32> -> vector<1000x256xf32>
    %add3A_194 = vector.broadcast %get3A_13 : vector<1000x1xf32> to vector<1000x256xf32>
    %add3A_195 = arith.addf %dot_general3A_193, %add3A_194 : vector<1000x256xf32>
    %swap3A_196 = arith.constant 1 : index
    %swap3A_197 = arith.constant 0 : index
    %swap3A_198 = arith.constant 768 : index
    %swap3A_199 = vector.load %arg6[%swap3A_196, %swap3A_197, %swap3A_198] : memref<2x1000x1024xf32, #tpu.memory_space<vmem>>, vector<1x1000x256xf32>
    %swap3A_200 = vector.shape_cast %swap3A_199 : vector<1x1000x256xf32> to vector<1000x256xf32>
    %swap3A_201 = vector.shape_cast %add3A_195 : vector<1000x256xf32> to vector<1x1000x256xf32>
    tpu.vector_store %arg6[%swap3A_196, %swap3A_197, %swap3A_198], %swap3A_201 {strides = array<i32>} : memref<2x1000x1024xf32, #tpu.memory_space<vmem>>, vector<1x1000x256xf32>,
    return
  }
  func.func @transform_0(%arg0: i32) -> (i32, i32, i32) {
    %c0_i32 = arith.constant 0 : i32
    %c0_i32_0 = arith.constant 0 : i32
    %c0_i32_1 = arith.constant 0 : i32
    return %arg0, %c0_i32, %c0_i32_0 : i32, i32, i32
  }
  func.func @transform_1(%arg0: i32) -> (i32, i32) {
    %c0_i32 = arith.constant 0 : i32
    %c0_i32_0 = arith.constant 0 : i32
    %c0_i32_1 = arith.constant 0 : i32
    return %c0_i32, %c0_i32_0 : i32, i32
  }
  func.func @transform_2(%arg0: i32) -> (i32, i32) {
    %c0_i32 = arith.constant 0 : i32
    %c0_i32_0 = arith.constant 0 : i32
    %c0_i32_1 = arith.constant 0 : i32
    return %c0_i32, %c0_i32_0 : i32, i32
  }
  func.func @transform_3(%arg0: i32) -> (i32, i32) {
    %c0_i32 = arith.constant 0 : i32
    %c0_i32_0 = arith.constant 0 : i32
    %c0_i32_1 = arith.constant 0 : i32
    return %c0_i32, %c0_i32_0 : i32, i32
  }
  func.func @transform_4(%arg0: i32) -> (i32, i32) {
    %c0_i32 = arith.constant 0 : i32
    %c0_i32_0 = arith.constant 0 : i32
    %c0_i32_1 = arith.constant 0 : i32
    return %c0_i32, %c0_i32_0 : i32, i32
  }
  func.func @transform_5(%arg0: i32) -> (i32, i32, i32) {
    %c0_i32 = arith.constant 0 : i32
    %c0_i32_0 = arith.constant 0 : i32
    %c0_i32_1 = arith.constant 0 : i32
    return %arg0, %c0_i32, %c0_i32_0 : i32, i32, i32
  }
}

</mosaic_0001>

<sc_bundles>
// kernel: kernel.4.cloned.1.call-start
scs
__scs_entry_jumppad:
0x0: {  	(pc) =	sbr.rel $0x88, $3  }
0x1: {  	(tag) =	ssettag $0x0;
	lr =	simm.s32 $0x1  }
0x2: {  	[smem:$0x3F9B] =	sst lr;
	_ =	strace $0xD0000000  }
0x3: {  	_ = 	snop  }
0x4: {  	_ = 	snop  }
0x5: {  	_ = 	snop  }
0x6: {  	_ = 	snop  }
0x7: {  	_ = 	snop  }
__scs_overlays_trampoline_lowered:
0x8: {  	[smem:$0x3FAA] =	sst s0  }
0x9: {  	[smem:$0x3FAB] =	sst s1  }
0xa: {  	[smem:$0x3FAC] =	sst s2  }
0xb: {  	[smem:$0x3FAD] =	sst s3  }
0xc: {  	[smem:$0x3FAE] =	sst s4  }
0xd: {  	[smem:$0x3FAF] =	sst s5  }
0xe: {  	[smem:$0x3FB0] =	sst s6  }
0xf: {  	[smem:$0x3FB1] =	sst s7  }
0x10: {  	[smem:$0x3FB2] =	sst s8  }
0x11: {  	[smem:$0x3FB3] =	sst s9;
	s0 =	simm.s32 @!p0 $0x0  }
0x12: {  	s1 =	sld [smem:$0x3F99];
	s0 =	simm.s32 @p0 $0x1  }
0x13: {  	[smem:$0x3FB4] =	sst s0;
	s0 =	simm.s32 @!p1 $0x0  }
0x14: {  	s2 =	sld [smem:$0x3F98];
	s0 =	simm.s32 @p1 $0x1  }
0x15: {  	[smem:$0x3FB5] =	sst s0;
	s0 =	simm.s32 @!p2 $0x0  }
0x16: {  	s3 =	sld [smem:$0x3FDB];
	s0 =	simm.s32 @p2 $0x1  }
0x17: {  	s4 =	simm.s32 $0x1BF5;
	[smem:$0x3FB7] =	sst s0  }
0x18: {  	s0 =	sld [smem:$0x3F9A];
	_ =	swait.ge [sflag:s4], $0x0  }
0x19: {  	s7 =	sld [smem:$0x3F9B]  }
0x1a: {  	s8 =	sadd.s32 $0xFFFFE003, lr  }
0x1b: {  	s9 =	sadd.s32 $0xFFFFFEF7, lr;
	s5 =	simm.s32 $0xFFFFFFFF;
	p2 =	slt.u32 s8, $0xFFFFF086  }
0x1c: {  	p1 =	slt.u32 s9, $0xF7A;
	s5 =	simm.s32 @!p2 $0x0  }
0x1d: {  	s5 =	simm.s32 @p1 $0x1;
	p0 =	seq.s32 s7, s2  }
0x1e: {  	s7 =	smul.u32 @!p0 $0xF7A, s2;
	p2 =	seq.s32 @!p0 s5, $0x0  }
0x1f: {  	s9 =	smul.u32 $0xF7A, s1;
	s8 =	simm.s32 @!p0 $0x1BF5;
	p2 =	por !p2, p0  }
0x20: {  	[sflag:s8] =	ssyncset.s32 @!p0 $0xFFFFF086;
	s6 =	sadd.s32 @!p0 s3, s7;
	s7 =	simm.s32 @!p0 $0x108  }
0x21: {  	s3 =	sadd.s32 s3, s9;
	s6 =	sadd.s32 @!p0 $0x88, s6;
	s7 =	simm.s32 @p2 $0x1082  }
0x22: {  	[simem:s7], [sflag:s8] =	dma.local @!p0 [hbm:s6], $0xF7A  }
0x23: {  	s9 =	sor.u32 $0xD0000000, s2;
	s6 =	simm.s32 $0x108;
	_ =	swait.ge @!p0 [sflag:s8], $0x0  }
0x24: {  	s3 =	sadd.s32 $0x88, s3;
	s6 =	simm.s32 @!p1 $0x1082;
	[sflag:s4] =	ssyncset.s32 $0xFFFFF086  }
0x25: {  	[simem:s6], [sflag:s4] =	dma.local [hbm:s3], $0xF7A  }
0x26: {  	[smem:$0x3F9B] =	sst s1;
	(tag) =	ssettag s2;
	_ =	strace s9  }
0x27: {  	s1 =	sld [smem:$0x3FAB]  }
0x28: {  	s2 =	sld [smem:$0x3FAC]  }
0x29: {  	s4 =	sld [smem:$0x3FAE]  }
0x2a: {  	p0 =	seq.s32 s5, $0x0;
	s5 =	sld [smem:$0x3FAF]  }
0x2b: {  	s6 =	sld [smem:$0x3FB0]  }
0x2c: {  	s7 =	sld [smem:$0x3FB1]  }
0x2d: {  	s3 =	simm.s32 $0x108;
	s8 =	sld [smem:$0x3FB2]  }
0x2e: {  	s3 =	simm.s32 @!p0 $0x1082;
	s9 =	sld [smem:$0x3FB3]  }
0x2f: {  	lr =	sadd.s32 s0, s3;
	s0 =	sld [smem:$0x3FAA]  }
0x30: {  	s3 =	sld [smem:$0x3FAD]  }
0x31: {  	[smem:$0x3FB6] =	sst s10  }
0x32: {  	s10 =	sld [smem:$0x3FB4];
	_ =	sdelay $0x3  }
0x33: {  	p0 =	seq.s32 s10, $0x1;
	s10 =	sld [smem:$0x3FB6];
	_ =	sdelay $0x3  }
0x34: {  	[smem:$0x3FB6] =	sst s10  }
0x35: {  	s10 =	sld [smem:$0x3FB5];
	_ =	sdelay $0x3  }
0x36: {  	p1 =	seq.s32 s10, $0x1;
	s10 =	sld [smem:$0x3FB6];
	_ =	sdelay $0x3  }
0x37: {  	[smem:$0x3FB6] =	sst s10  }
0x38: {  	s10 =	sld [smem:$0x3FB7]  }
0x39: {  	_ = 	snop;
	(pc) =	sbr.ind lr, $3  }
0x3a: {  	_ = 	snop  }
0x3b: {  	_ = 	snop  }
0x3c: {  	p2 =	seq.s32 s10, $0x1;
	s10 =	sld [smem:$0x3FB6]  }
0x3d: {  	_ =	shalt  }
0x3e: {  	_ =	shalt  }
0x3f: {  	_ =	shalt  }
0x40: {  	_ =	shalt  }
0x41: {  	_ =	shalt  }
0x42: {  	_ =	shalt  }
0x43: {  	_ =	shalt  }
0x44: {  	_ =	shalt  }
0x45: {  	_ =	shalt  }
0x46: {  	_ =	shalt  }
0x47: {  	_ =	shalt  }
0x48: {  	_ =	shalt  }
0x49: {  	_ =	shalt  }
0x4a: {  	_ =	shalt  }
0x4b: {  	_ =	shalt  }
0x4c: {  	_ =	shalt  }
0x4d: {  	_ =	shalt  }
0x4e: {  	_ =	shalt  }
0x4f: {  	_ =	shalt  }
0x50: {  	_ =	shalt  }
0x51: {  	_ =	shalt  }
0x52: {  	_ =	shalt  }
0x53: {  	_ =	shalt  }
0x54: {  	_ =	shalt  }
0x55: {  	_ =	shalt  }
0x56: {  	_ =	shalt  }
0x57: {  	_ =	shalt  }
0x58: {  	_ =	shalt  }
0x59: {  	_ =	shalt  }
0x5a: {  	_ =	shalt  }
0x5b: {  	_ =	shalt  }
0x5c: {  	_ =	shalt  }
0x5d: {  	_ =	shalt  }
0x5e: {  	_ =	shalt  }
0x5f: {  	_ =	shalt  }
0x60: {  	_ =	shalt  }
0x61: {  	_ =	shalt  }
0x62: {  	_ =	shalt  }
0x63: {  	_ =	shalt  }
0x64: {  	_ =	shalt  }
0x65: {  	_ =	shalt  }
0x66: {  	_ =	shalt  }
0x67: {  	_ =	shalt  }
0x68: {  	_ =	shalt  }
0x69: {  	_ =	shalt  }
0x6a: {  	_ =	shalt  }
0x6b: {  	_ =	shalt  }
0x6c: {  	_ =	shalt  }
0x6d: {  	_ =	shalt  }
0x6e: {  	_ =	shalt  }
0x6f: {  	_ =	shalt  }
0x70: {  	_ =	shalt  }
0x71: {  	_ =	shalt  }
0x72: {  	_ =	shalt  }
0x73: {  	_ =	shalt  }
0x74: {  	_ =	shalt  }
0x75: {  	_ =	shalt  }
0x76: {  	_ =	shalt  }
0x77: {  	_ =	shalt  }
0x78: {  	_ =	shalt  }
0x79: {  	_ =	shalt  }
0x7a: {  	_ =	shalt  }
0x7b: {  	_ =	shalt  }
0x7c: {  	_ =	shalt  }
0x7d: {  	_ =	shalt  }
0x7e: {  	_ =	shalt  }
0x7f: {  	_ =	shalt  }
0x80: {  	_ =	shalt  }
0x81: {  	_ =	shalt  }
0x82: {  	_ =	shalt  }
0x83: {  	_ =	shalt  }
0x84: {  	_ =	shalt  }
0x85: {  	_ =	shalt  }
0x86: {  	_ =	shalt  }
0x87: {  	_ =	shalt  }
.Lfunc_end0:
.L_simem_size_0:
called_computation_lowered:
.L_overlay_start_0:
0x88: {  	s2 =	sld [smem:$0x3FD9]  }
0x89: {  	s3 =	sld [smem:$0x3FFE];
	_ =	sdelay $0x1  }
0x8a: {  	s1 =	srdreg.scid  }
0x8b: {  	s0 =	sand.u32 $0x1, s1  }
0x8c: {  	s17 =	sshll.u32 s0, $0xA;
	s2 =	sadd.s32 s3, s2  }
0x8d: {  	s2 =	sadd.s32 s2, s17  }
0x8e: {  	[smem:$0x3FC2] =	sst s2  }
0x8f: {  	_ = 	snop  }
0x90: {  	s2 =	sld [smem:$0x3FC8]  }
0x91: {  	s18 =	sld [smem:$0x3FD0];
	(tm) =	ssettm $0x1  }
0x92: {  	s4 =	sld [smem:$0x3FFB];
	_ =	sdelay $0x3  }
0x93: {  	_ =	strace s4  }
0x94: {  	s4 =	sld [smem:$0x3FFC];
	_ =	sdelay $0x3  }
0x95: {  	_ =	strace s4  }
0x96: {  	s4 =	sld [smem:$0x3FFD];
	_ =	sdelay $0x3  }
0x97: {  	_ =	strace s4  }
0x98: {  	_ =	strace $0x8FFFFFFF  }
0x99: {  	s19 =	sld [smem:$0x3FDB];
	_ =	sdelay $0x1  }
0x9a: {  	s5 =	simm.s32 $_scs_section_size  }
0x9b: {  	s6 =	simm.s32 $_size__tile_overlayer_lowered;
	s7 =	simm.s32 $_tile_overlayer_lowered  }
0x9c: {  	s22 =	simm.s32 $0x1BFF;
	s21 =	sshll.u32 s7, $0x1;
	s4 =	sadd.s32 s5, s19  }
0x9d: {  	s8 =	simm.s32 $0x0;
	s20 =	sshll.u32 s6, $0x1;
	s6 =	sadd.s32 s21, s4  }
0x9e: {  	[timem:s8], [sflag:s22] =	dma.local [hbm:s6], s20  }
0x9f: {  	_ =	swait.ge [sflag:s22], s20  }
0xa0: {  	s5 =	ssub.s32 $0x0, s20;
	[sflag:s22] =	ssyncset.done $0x0  }
0xa1: {  	[sflag:s22] =	ssyncadd.s32 s5;
	_ =	sdelay $0x1  }
0xa2: {  	s23 =	simm.s32 $0x1B8B  }
0xa3: {  	_ =	swait.ge [sflag:s23], $0x1  }
0xa4: {  	[sflag:s23] =	ssyncset.done $0x0  }
0xa5: {  	s25 =	simm.s32 $0x1B8E;
	s24 =	sld [smem:$0x3FFE];
	[sflag:s23] =	ssyncadd.s32 $0xFFFFFFFF  }
0xa6: {  	s26 =	simm.s32 $execute0_lowered;
	[smem:$0x3FD2] =	sst s25  }
0xa7: {  	s6 =	sshll.u32 s26, $0x1;
	_ =	strace $0x80000046;
	[dreg:$0x1] =	wrdreg $0xFFFFFFFF  }
0xa8: {  	s28 =	simm.s32 $_size_execute0_lowered;
	s4 =	sadd.s32 s4, s6;
	[dreg:$0x0] =	wrdreg $0x0  }
0xa9: {  	s6 =	sshll.u32 s28, $0x1;
	[dreg:$0x2] =	wrdreg s4  }
0xaa: {  	[dreg:$0x3] =	wrdreg s6  }
0xab: {  	[dreg:$0x4] =	wrdreg $0xC0  }
0xac: {  	_ =	task [dreg:s8], $0x5FFFF  }
0xad: {  	[dreg:$0x1] =	wrdreg $0xFFFFFFFF  }
0xae: {  	[dreg:$0x0] =	wrdreg $0x60  }
0xaf: {  	[dreg:$0x2] =	wrdreg s2  }
0xb0: {  	[dreg:$0x3] =	wrdreg s18  }
0xb1: {  	[dreg:$0x4] =	wrdreg s24  }
0xb2: {  	[dreg:$0x5] =	wrdreg $0x9  }
0xb3: {  	_ =	task.clear_ibuf [dreg:s8], $0x6FFFF;
	_ =	strace $0x90000046  }
0xb4: {  	s29 =	simm.s32 $0x9;
	_ =	strace $0x80000048  }
0xb5: {  	_ =	swait.ge [sflag:s29], $0x1  }
0xb6: {  	[sflag:s29] =	ssyncadd.s32 $0xFFFFFFFF  }
0xb7: {  	_ =	strace $0x90000048  }
0xb8: {  	_ =	sfence  }
0xb9: {  	s30 =	sld [smem:$0x0];
	_ =	sdelay $0x2  }
0xba: {  	s31 =	sshll.u32 s1, $0xD;
	s1 =	sshrl.u32 s1, $0x2  }
0xbb: {  	s3 =	sand.u32 $0x4000, s31;
	s1 =	sadd.s32 s1, s30  }
0xbc: {  	s0 =	sor.u32 s3, s0;
	s1 =	sshll.u32 s1, $0x11  }
0xbd: {  	s0 =	sor.u32 s1, s0  }
0xbe: {  	s0 =	sadd.s32 $0x8F2B, s0  }
0xbf: {  	[sflag:s0] =	ssyncadd.remote.s32 $0x1  }
0xc0: {  	_ =	sfence.sel $0xFFFF  }
0xc1: {  	[dreg:$0x0] =	wrdreg $0xFFFFFFFF;
	(pc) =	sbr.abs _section_cstart, $3  }
0xc2: {  	[dreg:$0x1] =	wrdreg $0xFFFFFFFF  }
0xc3: {  	_ =	task.clear_ibuf [dreg:s8], $0x2FFFF;
	_ =	strace $0x9FFFFFFF  }
0xc4: {  	(tm) =	ssettm $0x7FFFFFFF  }
0xc5: {  	_ =	shalt  }
tec
execute0_lowered:
.L_overlay_start_1:
0x0: {  	(tag) =	ssettag $0x1  }
0x1: {  	s1 =	srdreg.scid;
	s0 =	stileid.u32  }
0x2: {  	s20 =	sand.u32 $0x1, s1;
	s26 =	sshll.u32 s0, $0x1  }
0x3: {  	s2 =	rddreg [dreg:$0x0];
	s12 =	sor.u32 s20, s26  }
0x4: {  	s18 =	rddreg [dreg:$0x1];
	s19 =	smul.u32 $0x640, s12  }
0x5: {  	s13 =	rddreg [dreg:$0x2];
	s3 =	simm.s32 $0x0  }
0x6: {  	s5 =	simm.s32 $0x5;
	[smem:$0x7FF] =	sst s3;
	s4 =	sshrl.u32 s19, $0x3  }
0x7: {  	s1 =	rddreg [dreg:$0x3];
	_ =	strace $0x80000047;
	s4 =	sadd.s32 s18, s4  }
0x8: {  	[tilespmem:s3], [sflag:$0x5] =	stream.linear.gather [hbm4b:s4+s3], $0x190, $0x38;
	[tilespmem:$0x19400] =	vst v63  }
0x9: {  	_ =	swait.ge [sflag:s5], $0x190  }
0xa: {  	s6 =	simm.s32 $0x190;
	s16 =	sadd.s32 $0x190, s19;
	[sflag:s5] =	ssyncset.done $0x0  }
0xb: {  	s7 =	simm.s32 $0x400;
	s8 =	sshrl.u32 s16, $0x3;
	[sflag:s5] =	ssyncadd.s32 $0xFFFFFE70  }
0xc: {  	[tilespmem:s7], [sflag:$0x1] =	stream.indirect.gather [hbm4b:s2+s6], $0x80, s3, s6, $0xb8;
	[tilespmem:$0x19400] =	vst v63  }
0xd: {  	s9 =	simm.s32 $0x200;
	s8 =	sadd.s32 s18, s8  }
0xe: {  	[tilespmem:s9], [sflag:$0x5] =	stream.linear.gather [hbm4b:s8+s3], $0x190, $0x38;
	[tilespmem:$0x19400] =	vst v63  }
0xf: {  	_ =	swait.ge [sflag:s5], $0x190  }
0x10: {  	[sflag:s5] =	ssyncset.done $0x0  }
0x11: {  	s10 =	simm.s32 $0xCC00;
	s11 =	simm.s32 $0x1;
	[sflag:s5] =	ssyncadd.s32 $0xFFFFFE70  }
0x12: {  	[tilespmem:s10], [sflag:$0x2] =	stream.indirect.gather [hbm4b:s2+s6], $0x80, s9, s6, $0xb8;
	[tilespmem:$0x19400] =	vst v63  }
0x13: {  	s12 =	smul.u32 $0x6400, s12;
	_ =	swait.ge [sflag:s11], $0xC800  }
0x14: {  	s21 =	sadd.s32 $0xA00, s13;
	[sflag:s11] =	ssyncset.done $0x0  }
0x15: {  	s13 =	simm.s32 $0x3;
	s12 =	sadd.s32 s21, s12;
	[sflag:s11] =	ssyncadd.s32 $0xFFFF3800  }
0x16: {  	[hbm4b:s12+s3] =	stream.linear.scatter [tilespmem:s7], [sflag:$0x3], $0xC800, $0x38;
	[tilespmem:$0x19400] =	vst v63  }
0x17: {  	s22 =	sadd.s32 $0x320, s19;
	_ =	swait.ge [sflag:s13], $0xC800  }
0x18: {  	s14 =	sshrl.u32 s22, $0x3;
	[sflag:s13] =	ssyncset.done $0x0  }
0x19: {  	s14 =	sadd.s32 s18, s14;
	[sflag:s13] =	ssyncadd.s32 $0xFFFF3800  }
0x1a: {  	[tilespmem:s3], [sflag:$0x5] =	stream.linear.gather [hbm4b:s14+s3], $0x190, $0x38;
	[tilespmem:$0x19400] =	vst v63  }
0x1b: {  	_ =	swait.ge [sflag:s5], $0x190  }
0x1c: {  	[sflag:s5] =	ssyncset.done $0x0  }
0x1d: {  	s15 =	simm.s32 $0x2;
	[sflag:s5] =	ssyncadd.s32 $0xFFFFFE70  }
0x1e: {  	[tilespmem:s7], [sflag:$0x1] =	stream.indirect.gather [hbm4b:s2+s6], $0x80, s3, s6, $0xb8;
	[tilespmem:$0x19400] =	vst v63  }
0x1f: {  	_ =	swait.ge [sflag:s15], $0xC800  }
0x20: {  	s16 =	sshll.u32 s16, $0x4;
	[sflag:s15] =	ssyncset.done $0x0  }
0x21: {  	s17 =	sadd.s32 s21, s16;
	s16 =	simm.s32 $0x4;
	[sflag:s15] =	ssyncadd.s32 $0xFFFF3800  }
0x22: {  	[hbm4b:s17+s3] =	stream.linear.scatter [tilespmem:s10], [sflag:$0x4], $0xC800, $0x38;
	[tilespmem:$0x19400] =	vst v63  }
0x23: {  	s23 =	sadd.s32 $0x4B0, s19;
	_ =	swait.ge [sflag:s16], $0xC800  }
0x24: {  	s19 =	sshrl.u32 s23, $0x3;
	[sflag:s16] =	ssyncset.done $0x0  }
0x25: {  	s18 =	sadd.s32 s18, s19;
	[sflag:s16] =	ssyncadd.s32 $0xFFFF3800  }
0x26: {  	[tilespmem:s9], [sflag:$0x5] =	stream.linear.gather [hbm4b:s18+s3], $0x190, $0x38;
	[tilespmem:$0x19400] =	vst v63  }
0x27: {  	_ =	swait.ge [sflag:s5], $0x190  }
0x28: {  	[sflag:s5] =	ssyncset.done $0x0  }
0x29: {  	[sflag:s5] =	ssyncadd.s32 $0xFFFFFE70  }
0x2a: {  	[tilespmem:s10], [sflag:$0x2] =	stream.indirect.gather [hbm4b:s2+s6], $0x80, s9, s6, $0xb8;
	[tilespmem:$0x19400] =	vst v63  }
0x2b: {  	s30 =	ssub.s32 $0x2, s20;
	_ =	swait.ge [sflag:s11], $0xC800  }
0x2c: {  	s31 =	sshrl.u32 s30, $0x1;
	s28 =	sshll.u32 s22, $0x4;
	[sflag:s11] =	ssyncset.done $0x0  }
0x2d: {  	s29 =	sshll.u32 s23, $0x4;
	s19 =	sadd.s32 s21, s28;
	[sflag:s11] =	ssyncadd.s32 $0xFFFF3800  }
0x2e: {  	[hbm4b:s19+s3] =	stream.linear.scatter [tilespmem:s7], [sflag:$0x3], $0xC800, $0x38;
	[tilespmem:$0x19400] =	vst v63  }
0x2f: {  	s20 =	sadd.s32 s21, s29;
	s21 =	ssub.s32 s30, s31;
	_ =	swait.ge [sflag:s15], $0xC800  }
0x30: {  	s21 =	smax.u32 s21, $0x1;
	[sflag:s15] =	ssyncset.done $0x0  }
0x31: {  	p0 =	sne.s32 s21, $0x1;
	[sflag:s15] =	ssyncadd.s32 $0xFFFF3800  }
0x32: {  	[hbm4b:s20+s3] =	stream.linear.scatter [tilespmem:s10], [sflag:$0x4], $0xC800, $0x38;
	[tilespmem:$0x19400] =	vst v63  }
.Ltmp0:
0x33: {  	_ =	swait.ge [sflag:s13], $0xC800;
	(pc) =	sbr.rel @!p0 .LBB2_2-.Ltmp0, $4  }
0x34: {  	[sflag:s13] =	ssyncset.done $0x0  }
0x35: {  	[sflag:s13] =	ssyncadd.s32 $0xFFFF3800  }
0x36: {  	_ =	swait.ge [sflag:s16], $0xC800  }
0x37: {  	s21 =	sadd.s32 $0xFFFFFFFF, s21;
	[sflag:s16] =	ssyncset.done $0x0  }
.LBB2_1:
0x38: {  	p0 =	sne.s32 s21, $0x1;
	s21 =	sadd.s32 $0xFFFFFFFF, s21;
	[sflag:s16] =	ssyncadd.s32 $0xFFFF3800  }
0x39: {  	[tilespmem:s3], [sflag:$0x5] =	stream.linear.gather [hbm4b:s4+s3], $0x190, $0x38;
	[tilespmem:$0x19400] =	vst v63  }
0x3a: {  	_ =	swait.ge [sflag:s5], $0x190  }
0x3b: {  	[sflag:s5] =	ssyncset.done $0x0  }
0x3c: {  	[sflag:s5] =	ssyncadd.s32 $0xFFFFFE70  }
0x3d: {  	[tilespmem:s7], [sflag:$0x1] =	stream.indirect.gather [hbm4b:s2+s6], $0x80, s3, s6, $0xb8;
	[tilespmem:$0x19400] =	vst v63  }
0x3e: {  	_ = 	snop  }
0x3f: {  	[tilespmem:s9], [sflag:$0x5] =	stream.linear.gather [hbm4b:s8+s3], $0x190, $0x38;
	[tilespmem:$0x19400] =	vst v63  }
0x40: {  	_ =	swait.ge [sflag:s5], $0x190  }
0x41: {  	[sflag:s5] =	ssyncset.done $0x0  }
0x42: {  	[sflag:s5] =	ssyncadd.s32 $0xFFFFFE70  }
0x43: {  	[tilespmem:s10], [sflag:$0x2] =	stream.indirect.gather [hbm4b:s2+s6], $0x80, s9, s6, $0xb8;
	[tilespmem:$0x19400] =	vst v63  }
0x44: {  	_ =	swait.ge [sflag:s11], $0xC800  }
0x45: {  	[sflag:s11] =	ssyncset.done $0x0  }
0x46: {  	[sflag:s11] =	ssyncadd.s32 $0xFFFF3800  }
0x47: {  	[hbm4b:s12+s3] =	stream.linear.scatter [tilespmem:s7], [sflag:$0x3], $0xC800, $0x38;
	[tilespmem:$0x19400] =	vst v63  }
0x48: {  	_ =	swait.ge [sflag:s13], $0xC800  }
0x49: {  	[sflag:s13] =	ssyncset.done $0x0  }
0x4a: {  	[sflag:s13] =	ssyncadd.s32 $0xFFFF3800  }
0x4b: {  	[tilespmem:s3], [sflag:$0x5] =	stream.linear.gather [hbm4b:s14+s3], $0x190, $0x38;
	[tilespmem:$0x19400] =	vst v63  }
0x4c: {  	_ =	swait.ge [sflag:s5], $0x190  }
0x4d: {  	[sflag:s5] =	ssyncset.done $0x0  }
0x4e: {  	[sflag:s5] =	ssyncadd.s32 $0xFFFFFE70  }
0x4f: {  	[tilespmem:s7], [sflag:$0x1] =	stream.indirect.gather [hbm4b:s2+s6], $0x80, s3, s6, $0xb8;
	[tilespmem:$0x19400] =	vst v63  }
0x50: {  	_ =	swait.ge [sflag:s15], $0xC800  }
0x51: {  	[sflag:s15] =	ssyncset.done $0x0  }
0x52: {  	[sflag:s15] =	ssyncadd.s32 $0xFFFF3800  }
0x53: {  	[hbm4b:s17+s3] =	stream.linear.scatter [tilespmem:s10], [sflag:$0x4], $0xC800, $0x38;
	[tilespmem:$0x19400] =	vst v63  }
0x54: {  	_ =	swait.ge [sflag:s16], $0xC800  }
0x55: {  	[sflag:s16] =	ssyncset.done $0x0  }
0x56: {  	[sflag:s16] =	ssyncadd.s32 $0xFFFF3800  }
0x57: {  	[tilespmem:s9], [sflag:$0x5] =	stream.linear.gather [hbm4b:s18+s3], $0x190, $0x38;
	[tilespmem:$0x19400] =	vst v63  }
0x58: {  	_ =	swait.ge [sflag:s5], $0x190  }
0x59: {  	[sflag:s5] =	ssyncset.done $0x0  }
0x5a: {  	[sflag:s5] =	ssyncadd.s32 $0xFFFFFE70  }
0x5b: {  	[tilespmem:s10], [sflag:$0x2] =	stream.indirect.gather [hbm4b:s2+s6], $0x80, s9, s6, $0xb8;
	[tilespmem:$0x19400] =	vst v63  }
0x5c: {  	_ =	swait.ge [sflag:s11], $0xC800  }
0x5d: {  	[sflag:s11] =	ssyncset.done $0x0  }
0x5e: {  	[sflag:s11] =	ssyncadd.s32 $0xFFFF3800  }
0x5f: {  	[hbm4b:s19+s3] =	stream.linear.scatter [tilespmem:s7], [sflag:$0x3], $0xC800, $0x38;
	[tilespmem:$0x19400] =	vst v63  }
0x60: {  	_ =	swait.ge [sflag:s15], $0xC800  }
0x61: {  	[sflag:s15] =	ssyncset.done $0x0  }
0x62: {  	[sflag:s15] =	ssyncadd.s32 $0xFFFF3800  }
0x63: {  	[hbm4b:s20+s3] =	stream.linear.scatter [tilespmem:s10], [sflag:$0x4], $0xC800, $0x38;
	[tilespmem:$0x19400] =	vst v63  }
.Ltmp1:
0x64: {  	_ =	swait.ge [sflag:s13], $0xC800;
	(pc) =	sbr.rel @p0 .LBB2_1-.Ltmp1, $4  }
0x65: {  	[sflag:s13] =	ssyncset.done $0x0  }
0x66: {  	[sflag:s13] =	ssyncadd.s32 $0xFFFF3800  }
0x67: {  	_ =	swait.ge [sflag:s16], $0xC800  }
0x68: {  	[sflag:s16] =	ssyncset.done $0x0  }
.LBB2_2:
0x69: {  	[sflag:s16] =	ssyncadd.s32 $0xFFFF3800  }
0x6a: {  	_ =	sfence.sel $0x180000  }
0x6b: {  	[bflag:$0x0] =	sbarrier.arrive $0xFFFF  }
0x6c: {  	p0 =	sne.s32 s0, $0x0;
	_ =	strace $0x90000047  }
0x6d: {  	s0 =	sadd.s32 @!p0 $0x100000, s1;
	[bflag:$0x2] =	sbarrier.arrive $0xFFFF  }
0x6e: {  	[sflag:s0] =	ssyncadd.tile.s32 @!p0 $0x1;
	_ =	shalt  }
.Lfunc_end2:
_tile_overlayer_lowered:
.L_overlay_start_2:
0x6f: {  	(tag) =	ssettag $0x2  }
0x70: {  	s0 =	rddreg [dreg:$0x0];
	s2 =	stileid.u32  }
0x71: {  	s1 =	rddreg [dreg:$0x1];
	p0 =	sne.s32 s2, $0x0  }
0x72: {  	s3 =	rddreg [dreg:$0x2];
	[bflag:$0x3] =	sbarrier.arrive $0xFFFF;
	s2 =	simm.s32 @!p0 $0x1C05  }
0x73: {  	[timem:s3], [sflag:s2] =	dma.local @!p0 [hbm:s0], s1  }
0x74: {  	s0 =	simm.s32 @!p0 $0x5  }
0x75: {  	_ =	swait.ge @!p0 [sflag:s0], s1  }
0x76: {  	s1 =	ssub.s32 @!p0 $0x0, s1;
	[sflag:s0] =	ssyncset.done @!p0 $0x0  }
0x77: {  	[sflag:s0] =	ssyncadd.s32 @!p0 s1  }
0x78: {  	[bflag:$0x3] =	sbarrier.arrive $0xFFFF  }
0x79: {  	_ =	shalt  }

</sc_bundles>
